<compile_context>
chip_gen: v7x
topology: tpu7x:2x2x1
jax: 0.10.2.dev20260603
libtpu: 0.0.44.dev20260713+nightly
codegen_flags: <defaults>
</compile_context>

<pallas_src>
import jax
import jax.numpy as jnp
from jax import lax
from jax.experimental import pallas as pl
from jax.experimental.pallas import tpu as pltpu
from jax.experimental.pallas import tpu_sc as plsc

VOCAB = 100000
OBJ = 100000
DIM = 200
N_NEG = 100

LANES = 16
N_COL_TILES = 7
N_COLS_PAD = N_COL_TILES * LANES
CHUNK = 128
N_CHUNKS = DIM * LANES // CHUNK
WROW_PAD = 208
WCHUNK = 104


def _rsqrt(x):
    i = plsc.bitcast(x, jnp.int32)
    i = jnp.int32(0x5F3759DF) - lax.shift_right_logical(i, 1)
    y = plsc.bitcast(i, jnp.float32)
    for _ in range(3):
        y = y * (1.5 - 0.5 * x * y * y)
    return y


def _sc_body(oflat, wflat, oidx, wrepidx, wlinidx, out_res, out_w,
             oidx_v, wrepidx_v, wlinidx_v, col_v, wrep_v, wrow_v, res_v,
             sem_o, sem_w, sem_l):
    wid = lax.axis_index("s") * 2 + lax.axis_index("c")

    @pl.when(wid < N_COL_TILES)
    def _():
        pltpu.sync_copy(oidx.at[wid], oidx_v)
        pltpu.sync_copy(wrepidx, wrepidx_v)

        def fire(g, carry):
            pltpu.async_copy(oflat.at[oidx_v.at[g]],
                             col_v.at[pl.ds(g * CHUNK, CHUNK)], sem_o)
            pltpu.async_copy(wflat.at[wrepidx_v.at[g]],
                             wrep_v.at[pl.ds(g * CHUNK, CHUNK)], sem_w)
            return carry
        lax.fori_loop(0, N_CHUNKS, fire, 0)

        @pl.when(wid == 0)
        def _():
            pltpu.sync_copy(wlinidx, wlinidx_v)
            for g in range(2):
                pltpu.async_copy(wflat.at[wlinidx_v.at[g]],
                                 wrow_v.at[pl.ds(g * WCHUNK, WCHUNK)], sem_l)

        pltpu.make_async_copy(oflat.at[pl.ds(0, DIM * LANES)], col_v, sem_o).wait()
        pltpu.make_async_copy(wflat.at[pl.ds(0, DIM * LANES)], wrep_v, sem_w).wait()

        def body(d, carry):
            nacc, sacc, wsacc = carry
            col = col_v[pl.ds(d * LANES, LANES)]
            ws = wrep_v[pl.ds(d * LANES, LANES)]
            return (nacc + ws * col, sacc + col * col, wsacc + ws * ws)
        zeros = jnp.zeros((LANES,), jnp.float32)
        nacc, sacc, wsacc = lax.fori_loop(0, DIM, body, (zeros, zeros, zeros))

        eps2 = jnp.float32(1e-16)
        denom2 = jnp.maximum(wsacc, eps2) * jnp.maximum(sacc, eps2)
        res_v[...] = nacc * _rsqrt(denom2)
        pltpu.sync_copy(res_v, out_res.at[pl.ds(wid * LANES, LANES)])

        @pl.when(wid == 0)
        def _():
            pltpu.make_async_copy(wflat.at[pl.ds(0, WROW_PAD)], wrow_v, sem_l).wait()
            pltpu.sync_copy(wrow_v.at[pl.ds(0, DIM)], out_w)


_sc_call = pl.kernel(
    _sc_body,
    out_type=(
        jax.ShapeDtypeStruct((N_COLS_PAD,), jnp.float32),
        jax.ShapeDtypeStruct((DIM,), jnp.float32),
    ),
    mesh=plsc.VectorSubcoreMesh(core_axis_name="c", subcore_axis_name="s",
                                num_cores=2, num_subcores=16),
    compiler_params=pltpu.CompilerParams(needs_layout_passes=False),
    scratch_types=(
        pltpu.VMEM((N_CHUNKS, CHUNK), jnp.int32),
        pltpu.VMEM((N_CHUNKS, CHUNK), jnp.int32),
        pltpu.VMEM((2, WCHUNK), jnp.int32),
        pltpu.VMEM((DIM * LANES,), jnp.float32),
        pltpu.VMEM((DIM * LANES,), jnp.float32),
        pltpu.VMEM((WROW_PAD,), jnp.float32),
        pltpu.VMEM((LANES,), jnp.float32),
        pltpu.SemaphoreType.DMA,
        pltpu.SemaphoreType.DMA,
        pltpu.SemaphoreType.DMA,
    ),
)


def kernel(W, O, word, obj, neg_samples):
    word = jnp.asarray(word, jnp.int32)
    obj = jnp.asarray(obj, jnp.int32)
    neg = jnp.asarray(neg_samples, jnp.int32)

    col_idx = jnp.concatenate(
        [obj.reshape(1), neg, jnp.zeros((N_COLS_PAD - 1 - N_NEG,), jnp.int32)])
    d_ar = jnp.arange(DIM, dtype=jnp.int32)
    oidx = (d_ar[None, :, None] * OBJ
            + col_idx.reshape(N_COL_TILES, 1, LANES)).reshape(
                N_COL_TILES, N_CHUNKS, CHUNK)
    wrepidx = jnp.broadcast_to((word * DIM + d_ar)[:, None],
                               (DIM, LANES)).reshape(N_CHUNKS, CHUNK)
    wlinidx = (word * DIM
               + jnp.minimum(jnp.arange(WROW_PAD, dtype=jnp.int32), DIM - 1)
               ).reshape(2, WCHUNK)

    res_all, wrow = _sc_call(O.reshape(-1), W.reshape(-1),
                             oidx, wrepidx, wlinidx)
    word_embed = wrow.reshape(1, DIM)
    obj_embed = res_all[0]
    neg_embeds = res_all[1:1 + N_NEG]
    return (word_embed, obj_embed, neg_embeds)

# --- scband reference (transcript-rebuilt; emitter-appended) ---
"""Pipeline reference for scband-apembedding-modeler-70257075028590 (READ-ONLY COPY).

The authoritative reference and input builder live on the scoring server;
editing this copy changes nothing except your own understanding.
"""

import jax, jax.numpy as jnp
import numpy as np

VOCAB_LEN = 100000
OBJ_LEN = 100000
DIM_SIZE = 200
N_NEG = 100


def setup_inputs(seed: int = 0) -> dict:
    key = jax.random.key(seed)
    k1, k2, k3 = jax.random.split(key, 3)
    W = jax.random.normal(k1, (VOCAB_LEN, DIM_SIZE), dtype=jnp.float32)
    O = jax.random.normal(k2, (DIM_SIZE, OBJ_LEN), dtype=jnp.float32)
    word = 4271
    obj = 523
    neg_samples = jax.random.randint(k3, (N_NEG,), 0, OBJ_LEN, dtype=jnp.int32)
    return {"W": W, "O": O, "word": word, "obj": obj, "neg_samples": neg_samples}


def reference(W, O, word, obj, neg_samples):
    # word_embed = self.word_embeddings[word].view(1, -1)
    word_embed = W[word].reshape(1, -1)  # [1, DIM]
    # obj_embeds = F.cosine_similarity(word_embed, self.object_embeddings.t())
    ot = O.T  # [OBJ_LEN, DIM]
    num = jnp.sum(word_embed * ot, axis=1)  # [OBJ_LEN]
    n1 = jnp.sqrt(jnp.sum(word_embed * word_embed, axis=1))  # [1]
    n2 = jnp.sqrt(jnp.sum(ot * ot, axis=1))  # [OBJ_LEN]
    denom = jnp.maximum(n1, 1e-8) * jnp.maximum(n2, 1e-8)
    obj_embeds = num / denom  # [OBJ_LEN]
    obj_embed = obj_embeds[obj]  # scalar
    neg_embeds = obj_embeds[neg_samples]  # [N_NEG]
    return (word_embed, obj_embed, neg_embeds)

if __name__ == "__main__":
    import jax
    _d = setup_inputs()
    print(jax.jit(kernel)(*tuple(_d.values())))

</pallas_src>

<mosaic_0001>
#map = affine_map<(d0, d1) -> (0)>
#map1 = affine_map<(d0, d1) -> (0, 0, 0)>
#map2 = affine_map<(d0, d1) -> (0, 0)>
module attributes {stable_mosaic.version = 14 : i64} {
  func.func @_sc_body(%arg0: i32, %arg1: i32, %arg2: memref<20000000xf32, #tpu.memory_space<hbm>>, %arg3: memref<20000000xf32, #tpu.memory_space<hbm>>, %arg4: memref<7x25x128xi32, #tpu.memory_space<hbm>>, %arg5: memref<25x128xi32, #tpu.memory_space<hbm>>, %arg6: memref<2x104xi32, #tpu.memory_space<hbm>>, %arg7: memref<112xf32, #tpu.memory_space<hbm>>, %arg8: memref<200xf32, #tpu.memory_space<hbm>>, %arg9: memref<25x128xi32, #tpu.memory_space<vmem>>, %arg10: memref<25x128xi32, #tpu.memory_space<vmem>>, %arg11: memref<2x104xi32, #tpu.memory_space<vmem>>, %arg12: memref<3200xf32, #tpu.memory_space<vmem>>, %arg13: memref<3200xf32, #tpu.memory_space<vmem>>, %arg14: memref<208xf32, #tpu.memory_space<vmem>>, %arg15: memref<16xf32, #tpu.memory_space<vmem>>, %arg16: memref<!tpu.dma_semaphore, #tpu.memory_space<semaphore_mem>>, %arg17: memref<!tpu.dma_semaphore, #tpu.memory_space<semaphore_mem>>, %arg18: memref<!tpu.dma_semaphore, #tpu.memory_space<semaphore_mem>>) attributes {dimension_semantics = [#tpu.dimension_semantics<core_parallel>, #tpu.dimension_semantics<subcore_parallel>], iteration_bounds = array<i64: 2, 16>, scalar_prefetch = 0 : i64, scratch_operands = 10 : i64, tpu.core_type = #tpu.core_type<sc_vector_subcore>, window_params = [{transform_indices = #map}, {transform_indices = #map}, {transform_indices = #map1}, {transform_indices = #map2}, {transform_indices = #map2}, {transform_indices = #map}, {transform_indices = #map}]} {
    %mul3A = arith.constant 2 : i32
    %mul3A_0 = arith.muli %arg1, %mul3A : i32
    %add3A = arith.addi %mul3A_0, %arg0 : i32
    %lt3A = arith.constant 7 : i32
    %lt3A_1 = arith.cmpi slt, %add3A, %lt3A : i32
    %convert_element_type3A = arith.extui %lt3A_1 : i1 to i32
    %cond3A = arith.constant 0 : i32
    %cond3A_2 = arith.cmpi ne, %convert_element_type3A, %cond3A : i32
    scf.if %cond3A_2 {
      "tpu.region"() ({
        %run_scoped3A = tpu.sem_alloc : memref<!tpu.dma_semaphore, #tpu.memory_space<semaphore_mem>>
        %dma_start3A = arith.constant 0 : i32
        %dma_start3A_73 = arith.constant 0 : i32
        %dma_start3A_74 = tpu.memref_slice %arg4[%add3A, %dma_start3A, %dma_start3A_73] : memref<7x25x128xi32, #tpu.memory_space<hbm>> -> memref<1x25x128xi32, #tpu.memory_space<hbm>>
        %dma_start3A_75 = tpu.memref_squeeze %dma_start3A_74 : memref<1x25x128xi32, #tpu.memory_space<hbm>> -> memref<25x128xi32, #tpu.memory_space<hbm>>
        %dma_start3A_76 = arith.constant 0 : i32
        %dma_start3A_77 = arith.constant 0 : i32
        %dma_start3A_78 = tpu.memref_slice %arg4[%add3A, %dma_start3A_76, %dma_start3A_77] : memref<7x25x128xi32, #tpu.memory_space<hbm>> -> memref<1x25x128xi32, #tpu.memory_space<hbm>>
        %dma_start3A_79 = tpu.memref_squeeze %dma_start3A_78 : memref<1x25x128xi32, #tpu.memory_space<hbm>> -> memref<25x128xi32, #tpu.memory_space<hbm>>
        tpu.enqueue_dma source(%dma_start3A_79 : memref<25x128xi32, #tpu.memory_space<hbm>>) target(%arg9 : memref<25x128xi32, #tpu.memory_space<vmem>>) target_semaphore(%run_scoped3A : memref<!tpu.dma_semaphore, #tpu.memory_space<semaphore_mem>>)
        %dma_wait3A_80 = arith.constant 0 : i32
        %dma_wait3A_81 = arith.constant 0 : i32
        %dma_wait3A_82 = tpu.memref_slice %arg4[%add3A, %dma_wait3A_80, %dma_wait3A_81] : memref<7x25x128xi32, #tpu.memory_space<hbm>> -> memref<1x25x128xi32, #tpu.memory_space<hbm>>
        %dma_wait3A_83 = tpu.memref_squeeze %dma_wait3A_82 : memref<1x25x128xi32, #tpu.memory_space<hbm>> -> memref<25x128xi32, #tpu.memory_space<hbm>>
        %dma_wait3A_84 = arith.constant 0 : i32
        %dma_wait3A_85 = arith.constant 0 : i32
        %dma_wait3A_86 = tpu.memref_slice %arg4[%add3A, %dma_wait3A_84, %dma_wait3A_85] : memref<7x25x128xi32, #tpu.memory_space<hbm>> -> memref<1x25x128xi32, #tpu.memory_space<hbm>>
        %dma_wait3A_87 = tpu.memref_squeeze %dma_wait3A_86 : memref<1x25x128xi32, #tpu.memory_space<hbm>> -> memref<25x128xi32, #tpu.memory_space<hbm>>
        tpu.wait_dma2 semaphore(%run_scoped3A : memref<!tpu.dma_semaphore, #tpu.memory_space<semaphore_mem>>) src(%dma_wait3A_87 : memref<25x128xi32, #tpu.memory_space<hbm>>) dst(%arg9 : memref<25x128xi32, #tpu.memory_space<vmem>>)
        tpu.yield
      }) : () -> ()
      "tpu.region"() ({
        %run_scoped3A = tpu.sem_alloc : memref<!tpu.dma_semaphore, #tpu.memory_space<semaphore_mem>>
        tpu.enqueue_dma source(%arg5 : memref<25x128xi32, #tpu.memory_space<hbm>>) target(%arg10 : memref<25x128xi32, #tpu.memory_space<vmem>>) target_semaphore(%run_scoped3A : memref<!tpu.dma_semaphore, #tpu.memory_space<semaphore_mem>>)
        tpu.wait_dma2 semaphore(%run_scoped3A : memref<!tpu.dma_semaphore, #tpu.memory_space<semaphore_mem>>) src(%arg5 : memref<25x128xi32, #tpu.memory_space<hbm>>) dst(%arg10 : memref<25x128xi32, #tpu.memory_space<vmem>>)
        tpu.yield
      }) : () -> ()
      %scan3A = arith.constant 0 : i32
      %scan3A_3 = arith.constant 0 : i32
      %scan3A_4 = arith.constant 25 : i32
      %scan3A_5 = arith.addi %scan3A_3, %scan3A_4 : i32
      %scan3A_6 = arith.constant 1 : i32
      scf.for %scan3A_73 = %scan3A_3 to %scan3A_5 step %scan3A_6  : i32 {
        %mul3A_74 = arith.constant 128 : i32
        %mul3A_75 = arith.muli %scan3A_73, %mul3A_74 : i32
        %dma_start3A = tpu.memref_slice %arg12[%mul3A_75] : memref<3200xf32, #tpu.memory_space<vmem>> -> memref<128xf32, #tpu.memory_space<vmem>>
        %dma_start3A_76 = arith.constant 0 : i32
        %dma_start3A_77 = tpu.memref_slice %arg9[%scan3A_73, %dma_start3A_76] : memref<25x128xi32, #tpu.memory_space<vmem>> -> memref<1x128xi32, #tpu.memory_space<vmem>>
        %dma_start3A_78 = tpu.memref_squeeze %dma_start3A_77 : memref<1x128xi32, #tpu.memory_space<vmem>> -> memref<128xi32, #tpu.memory_space<vmem>>
        %dma_start3A_79 = arith.constant 0 : i32
        %dma_start3A_80 = tpu.memref_slice %arg2[%dma_start3A_79] : memref<20000000xf32, #tpu.memory_space<hbm>> -> memref<20000000xf32, #tpu.memory_space<hbm>>
        tpu.enqueue_indirect_dma source(%dma_start3A_80 : memref<20000000xf32, #tpu.memory_space<hbm>>) target(%dma_start3A : memref<128xf32, #tpu.memory_space<vmem>>) offsets(%dma_start3A_78 : memref<128xi32, #tpu.memory_space<vmem>>) semaphore(%arg16 : memref<!tpu.dma_semaphore, #tpu.memory_space<semaphore_mem>>)
        %mul3A_81 = arith.constant 128 : i32
        %mul3A_82 = arith.muli %scan3A_73, %mul3A_81 : i32
        %dma_start3A_83 = tpu.memref_slice %arg13[%mul3A_82] : memref<3200xf32, #tpu.memory_space<vmem>> -> memref<128xf32, #tpu.memory_space<vmem>>
        %dma_start3A_84 = arith.constant 0 : i32
        %dma_start3A_85 = tpu.memref_slice %arg10[%scan3A_73, %dma_start3A_84] : memref<25x128xi32, #tpu.memory_space<vmem>> -> memref<1x128xi32, #tpu.memory_space<vmem>>
        %dma_start3A_86 = tpu.memref_squeeze %dma_start3A_85 : memref<1x128xi32, #tpu.memory_space<vmem>> -> memref<128xi32, #tpu.memory_space<vmem>>
        %dma_start3A_87 = arith.constant 0 : i32
        %dma_start3A_88 = tpu.memref_slice %arg3[%dma_start3A_87] : memref<20000000xf32, #tpu.memory_space<hbm>> -> memref<20000000xf32, #tpu.memory_space<hbm>>
        tpu.enqueue_indirect_dma source(%dma_start3A_88 : memref<20000000xf32, #tpu.memory_space<hbm>>) target(%dma_start3A_83 : memref<128xf32, #tpu.memory_space<vmem>>) offsets(%dma_start3A_86 : memref<128xi32, #tpu.memory_space<vmem>>) semaphore(%arg17 : memref<!tpu.dma_semaphore, #tpu.memory_space<semaphore_mem>>)
      }
      %scan3A_7 = arith.constant 25 : i32
      %eq3A = arith.constant 0 : i32
      %eq3A_8 = arith.cmpi eq, %add3A, %eq3A : i32
      %convert_element_type3A_9 = arith.extui %eq3A_8 : i1 to i32
      %cond3A_10 = arith.constant 0 : i32
      %cond3A_11 = arith.cmpi ne, %convert_element_type3A_9, %cond3A_10 : i32
      scf.if %cond3A_11 {
        "tpu.region"() ({
          %run_scoped3A = tpu.sem_alloc : memref<!tpu.dma_semaphore, #tpu.memory_space<semaphore_mem>>
          tpu.enqueue_dma source(%arg6 : memref<2x104xi32, #tpu.memory_space<hbm>>) target(%arg11 : memref<2x104xi32, #tpu.memory_space<vmem>>) target_semaphore(%run_scoped3A : memref<!tpu.dma_semaphore, #tpu.memory_space<semaphore_mem>>)
          tpu.wait_dma2 semaphore(%run_scoped3A : memref<!tpu.dma_semaphore, #tpu.memory_space<semaphore_mem>>) src(%arg6 : memref<2x104xi32, #tpu.memory_space<hbm>>) dst(%arg11 : memref<2x104xi32, #tpu.memory_space<vmem>>)
          tpu.yield
        }) : () -> ()
        %dma_start3A = arith.constant 0 : i32
        %dma_start3A_73 = arith.constant 0 : i32
        %dma_start3A_74 = tpu.memref_slice %arg14[%dma_start3A_73] : memref<208xf32, #tpu.memory_space<vmem>> -> memref<104xf32, #tpu.memory_space<vmem>>
        %dma_start3A_75 = arith.constant 0 : i32
        %dma_start3A_76 = tpu.memref_slice %arg11[%dma_start3A, %dma_start3A_75] : memref<2x104xi32, #tpu.memory_space<vmem>> -> memref<1x104xi32, #tpu.memory_space<vmem>>
        %dma_start3A_77 = tpu.memref_squeeze %dma_start3A_76 : memref<1x104xi32, #tpu.memory_space<vmem>> -> memref<104xi32, #tpu.memory_space<vmem>>
        %dma_start3A_78 = arith.constant 0 : i32
        %dma_start3A_79 = tpu.memref_slice %arg3[%dma_start3A_78] : memref<20000000xf32, #tpu.memory_space<hbm>> -> memref<20000000xf32, #tpu.memory_space<hbm>>
        tpu.enqueue_indirect_dma source(%dma_start3A_79 : memref<20000000xf32, #tpu.memory_space<hbm>>) target(%dma_start3A_74 : memref<104xf32, #tpu.memory_space<vmem>>) offsets(%dma_start3A_77 : memref<104xi32, #tpu.memory_space<vmem>>) semaphore(%arg18 : memref<!tpu.dma_semaphore, #tpu.memory_space<semaphore_mem>>)
        %dma_start3A_80 = arith.constant 1 : i32
        %dma_start3A_81 = arith.constant 104 : i32
        %dma_start3A_82 = tpu.memref_slice %arg14[%dma_start3A_81] : memref<208xf32, #tpu.memory_space<vmem>> -> memref<104xf32, #tpu.memory_space<vmem>>
        %dma_start3A_83 = arith.constant 0 : i32
        %dma_start3A_84 = tpu.memref_slice %arg11[%dma_start3A_80, %dma_start3A_83] : memref<2x104xi32, #tpu.memory_space<vmem>> -> memref<1x104xi32, #tpu.memory_space<vmem>>
        %dma_start3A_85 = tpu.memref_squeeze %dma_start3A_84 : memref<1x104xi32, #tpu.memory_space<vmem>> -> memref<104xi32, #tpu.memory_space<vmem>>
        %dma_start3A_86 = arith.constant 0 : i32
        %dma_start3A_87 = tpu.memref_slice %arg3[%dma_start3A_86] : memref<20000000xf32, #tpu.memory_space<hbm>> -> memref<20000000xf32, #tpu.memory_space<hbm>>
        tpu.enqueue_indirect_dma source(%dma_start3A_87 : memref<20000000xf32, #tpu.memory_space<hbm>>) target(%dma_start3A_82 : memref<104xf32, #tpu.memory_space<vmem>>) offsets(%dma_start3A_85 : memref<104xi32, #tpu.memory_space<vmem>>) semaphore(%arg18 : memref<!tpu.dma_semaphore, #tpu.memory_space<semaphore_mem>>)
      } else {
      }
      %dma_wait3A = arith.constant 0 : i32
      %dma_wait3A_12 = tpu.memref_slice %arg2[%dma_wait3A] : memref<20000000xf32, #tpu.memory_space<hbm>> -> memref<3200xf32, #tpu.memory_space<hbm>>
      %dma_wait3A_13 = arith.constant 0 : i32
      %dma_wait3A_14 = tpu.memref_slice %arg2[%dma_wait3A_13] : memref<20000000xf32, #tpu.memory_space<hbm>> -> memref<3200xf32, #tpu.memory_space<hbm>>
      tpu.wait_dma2 semaphore(%arg16 : memref<!tpu.dma_semaphore, #tpu.memory_space<semaphore_mem>>) src(%dma_wait3A_14 : memref<3200xf32, #tpu.memory_space<hbm>>) dst(%arg12 : memref<3200xf32, #tpu.memory_space<vmem>>)
      %dma_wait3A_15 = arith.constant 0 : i32
      %dma_wait3A_16 = tpu.memref_slice %arg3[%dma_wait3A_15] : memref<20000000xf32, #tpu.memory_space<hbm>> -> memref<3200xf32, #tpu.memory_space<hbm>>
      %dma_wait3A_17 = arith.constant 0 : i32
      %dma_wait3A_18 = tpu.memref_slice %arg3[%dma_wait3A_17] : memref<20000000xf32, #tpu.memory_space<hbm>> -> memref<3200xf32, #tpu.memory_space<hbm>>
      tpu.wait_dma2 semaphore(%arg17 : memref<!tpu.dma_semaphore, #tpu.memory_space<semaphore_mem>>) src(%dma_wait3A_18 : memref<3200xf32, #tpu.memory_space<hbm>>) dst(%arg13 : memref<3200xf32, #tpu.memory_space<vmem>>)
      %broadcast_in_dim3A = arith.constant 0.000000e+00 : f32
      %broadcast_in_dim3A_19 = vector.broadcast %broadcast_in_dim3A : f32 to vector<16xf32>
      %scan3A_20 = arith.constant 0 : i32
      %scan3A_21 = arith.constant 200 : i32
      %scan3A_22 = arith.addi %scan3A_20, %scan3A_21 : i32
      %scan3A_23 = arith.constant 1 : i32
      %scan3A_24:3 = scf.for %scan3A_73 = %scan3A_20 to %scan3A_22 step %scan3A_23 iter_args(%scan3A_74 = %broadcast_in_dim3A_19, %scan3A_75 = %broadcast_in_dim3A_19, %scan3A_76 = %broadcast_in_dim3A_19) -> (vector<16xf32>, vector<16xf32>, vector<16xf32>)  : i32 {
        %mul3A_77 = arith.constant 16 : i32
        %mul3A_78 = arith.muli %scan3A_73, %mul3A_77 : i32
        %get3A = arith.index_cast %mul3A_78 : i32 to index
        %get3A_79 = tpu.vector_load %arg12[%get3A] {strides = array<i32>} : memref<3200xf32, #tpu.memory_space<vmem>>, vector<16xf32>,
        %mul3A_80 = arith.constant 16 : i32
        %mul3A_81 = arith.muli %scan3A_73, %mul3A_80 : i32
        %get3A_82 = arith.index_cast %mul3A_81 : i32 to index
        %get3A_83 = tpu.vector_load %arg13[%get3A_82] {strides = array<i32>} : memref<3200xf32, #tpu.memory_space<vmem>>, vector<16xf32>,
        %mul3A_84 = arith.mulf %get3A_83, %get3A_79 : vector<16xf32>
        %add3A_85 = arith.addf %scan3A_74, %mul3A_84 : vector<16xf32>
        %mul3A_86 = arith.mulf %get3A_79, %get3A_79 : vector<16xf32>
        %add3A_87 = arith.addf %scan3A_75, %mul3A_86 : vector<16xf32>
        %mul3A_88 = arith.mulf %get3A_83, %get3A_83 : vector<16xf32>
        %add3A_89 = arith.addf %scan3A_76, %mul3A_88 : vector<16xf32>
        scf.yield %add3A_85, %add3A_87, %add3A_89 : vector<16xf32>, vector<16xf32>, vector<16xf32>
      }
      %scan3A_25 = arith.constant 200 : i32
      %max3A = arith.constant 1.000000e-16 : f32
      %max3A_26 = vector.broadcast %max3A : f32 to vector<16xf32>
      %max3A_27 = arith.maximumf %scan3A_24#2, %max3A_26 : vector<16xf32>
      %max3A_28 = arith.constant 1.000000e-16 : f32
      %max3A_29 = vector.broadcast %max3A_28 : f32 to vector<16xf32>
      %max3A_30 = arith.maximumf %scan3A_24#1, %max3A_29 : vector<16xf32>
      %mul3A_31 = arith.mulf %max3A_27, %max3A_30 : vector<16xf32>
      %bitcast3A = vector.bitcast %mul3A_31 : vector<16xf32> to vector<16xi32>
      %shift_right_logical3A = arith.constant 1 : i32
      %shift_right_logical3A_32 = vector.broadcast %shift_right_logical3A : i32 to vector<16xi32>
      %shift_right_logical3A_33 = arith.shrui %bitcast3A, %shift_right_logical3A_32 : vector<16xi32>
      %sub3A = arith.constant 1597463007 : i32
      %sub3A_34 = vector.broadcast %sub3A : i32 to vector<16xi32>
      %sub3A_35 = arith.subi %sub3A_34, %shift_right_logical3A_33 : vector<16xi32>
      %bitcast3A_36 = vector.bitcast %sub3A_35 : vector<16xi32> to vector<16xf32>
      %mul3A_37 = arith.constant 5.000000e-01 : f32
      %mul3A_38 = vector.broadcast %mul3A_37 : f32 to vector<16xf32>
      %mul3A_39 = arith.mulf %mul3A_38, %mul3A_31 : vector<16xf32>
      %mul3A_40 = arith.mulf %mul3A_39, %bitcast3A_36 : vector<16xf32>
      %mul3A_41 = arith.mulf %mul3A_40, %bitcast3A_36 : vector<16xf32>
      %sub3A_42 = arith.constant 1.500000e+00 : f32
      %sub3A_43 = vector.broadcast %sub3A_42 : f32 to vector<16xf32>
      %sub3A_44 = arith.subf %sub3A_43, %mul3A_41 : vector<16xf32>
      %mul3A_45 = arith.mulf %bitcast3A_36, %sub3A_44 : vector<16xf32>
      %mul3A_46 = arith.constant 5.000000e-01 : f32
      %mul3A_47 = vector.broadcast %mul3A_46 : f32 to vector<16xf32>
      %mul3A_48 = arith.mulf %mul3A_47, %mul3A_31 : vector<16xf32>
      %mul3A_49 = arith.mulf %mul3A_48, %mul3A_45 : vector<16xf32>
      %mul3A_50 = arith.mulf %mul3A_49, %mul3A_45 : vector<16xf32>
      %sub3A_51 = arith.constant 1.500000e+00 : f32
      %sub3A_52 = vector.broadcast %sub3A_51 : f32 to vector<16xf32>
      %sub3A_53 = arith.subf %sub3A_52, %mul3A_50 : vector<16xf32>
      %mul3A_54 = arith.mulf %mul3A_45, %sub3A_53 : vector<16xf32>
      %mul3A_55 = arith.constant 5.000000e-01 : f32
      %mul3A_56 = vector.broadcast %mul3A_55 : f32 to vector<16xf32>
      %mul3A_57 = arith.mulf %mul3A_56, %mul3A_31 : vector<16xf32>
      %mul3A_58 = arith.mulf %mul3A_57, %mul3A_54 : vector<16xf32>
      %mul3A_59 = arith.mulf %mul3A_58, %mul3A_54 : vector<16xf32>
      %sub3A_60 = arith.constant 1.500000e+00 : f32
      %sub3A_61 = vector.broadcast %sub3A_60 : f32 to vector<16xf32>
      %sub3A_62 = arith.subf %sub3A_61, %mul3A_59 : vector<16xf32>
      %mul3A_63 = arith.mulf %mul3A_54, %sub3A_62 : vector<16xf32>
      %mul3A_64 = arith.mulf %scan3A_24#0, %mul3A_63 : vector<16xf32>
      %swap3A = arith.constant 0 : index
      %swap3A_65 = tpu.vector_load %arg15[%swap3A] {strides = array<i32>} : memref<16xf32, #tpu.memory_space<vmem>>, vector<16xf32>,
      tpu.vector_store %arg15[%swap3A], %mul3A_64 {strides = array<i32>} : memref<16xf32, #tpu.memory_space<vmem>>, vector<16xf32>,
      %mul3A_66 = arith.constant 16 : i32
      %mul3A_67 = arith.muli %add3A, %mul3A_66 : i32
      "tpu.region"() ({
        %run_scoped3A = tpu.sem_alloc : memref<!tpu.dma_semaphore, #tpu.memory_space<semaphore_mem>>
        %dma_start3A = tpu.memref_slice %arg7[%mul3A_67] : memref<112xf32, #tpu.memory_space<hbm>> -> memref<16xf32, #tpu.memory_space<hbm>>
        %dma_start3A_73 = tpu.memref_slice %arg7[%mul3A_67] : memref<112xf32, #tpu.memory_space<hbm>> -> memref<16xf32, #tpu.memory_space<hbm>>
        tpu.enqueue_dma source(%arg15 : memref<16xf32, #tpu.memory_space<vmem>>) target(%dma_start3A_73 : memref<16xf32, #tpu.memory_space<hbm>>) target_semaphore(%run_scoped3A : memref<!tpu.dma_semaphore, #tpu.memory_space<semaphore_mem>>)
        %dma_wait3A_74 = tpu.memref_slice %arg7[%mul3A_67] : memref<112xf32, #tpu.memory_space<hbm>> -> memref<16xf32, #tpu.memory_space<hbm>>
        %dma_wait3A_75 = tpu.memref_slice %arg7[%mul3A_67] : memref<112xf32, #tpu.memory_space<hbm>> -> memref<16xf32, #tpu.memory_space<hbm>>
        tpu.wait_dma2 semaphore(%run_scoped3A : memref<!tpu.dma_semaphore, #tpu.memory_space<semaphore_mem>>) src(%arg15 : memref<16xf32, #tpu.memory_space<vmem>>) dst(%dma_wait3A_75 : memref<16xf32, #tpu.memory_space<hbm>>)
        tpu.yield
      }) : () -> ()
      %eq3A_68 = arith.constant 0 : i32
      %eq3A_69 = arith.cmpi eq, %add3A, %eq3A_68 : i32
      %convert_element_type3A_70 = arith.extui %eq3A_69 : i1 to i32
      %cond3A_71 = arith.constant 0 : i32
      %cond3A_72 = arith.cmpi ne, %convert_element_type3A_70, %cond3A_71 : i32
      scf.if %cond3A_72 {
        %dma_wait3A_73 = arith.constant 0 : i32
        %dma_wait3A_74 = tpu.memref_slice %arg3[%dma_wait3A_73] : memref<20000000xf32, #tpu.memory_space<hbm>> -> memref<208xf32, #tpu.memory_space<hbm>>
        %dma_wait3A_75 = arith.constant 0 : i32
        %dma_wait3A_76 = tpu.memref_slice %arg3[%dma_wait3A_75] : memref<20000000xf32, #tpu.memory_space<hbm>> -> memref<208xf32, #tpu.memory_space<hbm>>
        tpu.wait_dma2 semaphore(%arg18 : memref<!tpu.dma_semaphore, #tpu.memory_space<semaphore_mem>>) src(%dma_wait3A_76 : memref<208xf32, #tpu.memory_space<hbm>>) dst(%arg14 : memref<208xf32, #tpu.memory_space<vmem>>)
        "tpu.region"() ({
          %run_scoped3A = tpu.sem_alloc : memref<!tpu.dma_semaphore, #tpu.memory_space<semaphore_mem>>
          %dma_start3A = arith.constant 0 : i32
          %dma_start3A_77 = tpu.memref_slice %arg14[%dma_start3A] : memref<208xf32, #tpu.memory_space<vmem>> -> memref<200xf32, #tpu.memory_space<vmem>>
          %dma_start3A_78 = arith.constant 0 : i32
          %dma_start3A_79 = tpu.memref_slice %arg14[%dma_start3A_78] : memref<208xf32, #tpu.memory_space<vmem>> -> memref<200xf32, #tpu.memory_space<vmem>>
          tpu.enqueue_dma source(%dma_start3A_79 : memref<200xf32, #tpu.memory_space<vmem>>) target(%arg8 : memref<200xf32, #tpu.memory_space<hbm>>) target_semaphore(%run_scoped3A : memref<!tpu.dma_semaphore, #tpu.memory_space<semaphore_mem>>)
          %dma_wait3A_80 = arith.constant 0 : i32
          %dma_wait3A_81 = tpu.memref_slice %arg14[%dma_wait3A_80] : memref<208xf32, #tpu.memory_space<vmem>> -> memref<200xf32, #tpu.memory_space<vmem>>
          %dma_wait3A_82 = arith.constant 0 : i32
          %dma_wait3A_83 = tpu.memref_slice %arg14[%dma_wait3A_82] : memref<208xf32, #tpu.memory_space<vmem>> -> memref<200xf32, #tpu.memory_space<vmem>>
          tpu.wait_dma2 semaphore(%run_scoped3A : memref<!tpu.dma_semaphore, #tpu.memory_space<semaphore_mem>>) src(%dma_wait3A_83 : memref<200xf32, #tpu.memory_space<vmem>>) dst(%arg8 : memref<200xf32, #tpu.memory_space<hbm>>)
          tpu.yield
        }) : () -> ()
      } else {
      }
    } else {
    }
    return
  }
}

</mosaic_0001>

<sc_bundles>
// kernel: kernel.3.cloned.1.call-start
scs
__scs_entry_jumppad:
0x0: {  	(pc) =	sbr.rel $0x88, $3  }
0x1: {  	(tag) =	ssettag $0x0;
	lr =	simm.s32 $0x1  }
0x2: {  	[smem:$0x3F9C] =	sst lr;
	_ =	strace $0xD0000000  }
0x3: {  	_ = 	snop  }
0x4: {  	_ = 	snop  }
0x5: {  	_ = 	snop  }
0x6: {  	_ = 	snop  }
0x7: {  	_ = 	snop  }
__scs_overlays_trampoline_lowered:
0x8: {  	[smem:$0x3FAB] =	sst s0  }
0x9: {  	[smem:$0x3FAC] =	sst s1  }
0xa: {  	[smem:$0x3FAD] =	sst s2  }
0xb: {  	[smem:$0x3FAE] =	sst s3  }
0xc: {  	[smem:$0x3FAF] =	sst s4  }
0xd: {  	[smem:$0x3FB0] =	sst s5  }
0xe: {  	[smem:$0x3FB1] =	sst s6  }
0xf: {  	[smem:$0x3FB2] =	sst s7  }
0x10: {  	[smem:$0x3FB3] =	sst s8  }
0x11: {  	[smem:$0x3FB4] =	sst s9;
	s0 =	simm.s32 @!p0 $0x0  }
0x12: {  	s1 =	sld [smem:$0x3F9A];
	s0 =	simm.s32 @p0 $0x1  }
0x13: {  	[smem:$0x3FB5] =	sst s0;
	s0 =	simm.s32 @!p1 $0x0  }
0x14: {  	s2 =	sld [smem:$0x3F99];
	s0 =	simm.s32 @p1 $0x1  }
0x15: {  	[smem:$0x3FB6] =	sst s0;
	s0 =	simm.s32 @!p2 $0x0  }
0x16: {  	s3 =	sld [smem:$0x3FDB];
	s0 =	simm.s32 @p2 $0x1  }
0x17: {  	s4 =	simm.s32 $0x1BF5;
	[smem:$0x3FB8] =	sst s0  }
0x18: {  	s0 =	sld [smem:$0x3F9B];
	_ =	swait.ge [sflag:s4], $0x0  }
0x19: {  	s7 =	sld [smem:$0x3F9C]  }
0x1a: {  	s8 =	sadd.s32 $0xFFFFE003, lr  }
0x1b: {  	s9 =	sadd.s32 $0xFFFFFEF7, lr;
	s5 =	simm.s32 $0xFFFFFFFF;
	p2 =	slt.u32 s8, $0xFFFFF086  }
0x1c: {  	p1 =	slt.u32 s9, $0xF7A;
	s5 =	simm.s32 @!p2 $0x0  }
0x1d: {  	s5 =	simm.s32 @p1 $0x1;
	p0 =	seq.s32 s7, s2  }
0x1e: {  	s7 =	smul.u32 @!p0 $0xF7A, s2;
	p2 =	seq.s32 @!p0 s5, $0x0  }
0x1f: {  	s9 =	smul.u32 $0xF7A, s1;
	s8 =	simm.s32 @!p0 $0x1BF5;
	p2 =	por !p2, p0  }
0x20: {  	[sflag:s8] =	ssyncset.s32 @!p0 $0xFFFFF086;
	s6 =	sadd.s32 @!p0 s3, s7;
	s7 =	simm.s32 @!p0 $0x108  }
0x21: {  	s3 =	sadd.s32 s3, s9;
	s6 =	sadd.s32 @!p0 $0x88, s6;
	s7 =	simm.s32 @p2 $0x1082  }
0x22: {  	[simem:s7], [sflag:s8] =	dma.local @!p0 [hbm:s6], $0xF7A  }
0x23: {  	s9 =	sor.u32 $0xD0000000, s2;
	s6 =	simm.s32 $0x108;
	_ =	swait.ge @!p0 [sflag:s8], $0x0  }
0x24: {  	s3 =	sadd.s32 $0x88, s3;
	s6 =	simm.s32 @!p1 $0x1082;
	[sflag:s4] =	ssyncset.s32 $0xFFFFF086  }
0x25: {  	[simem:s6], [sflag:s4] =	dma.local [hbm:s3], $0xF7A  }
0x26: {  	[smem:$0x3F9C] =	sst s1;
	(tag) =	ssettag s2;
	_ =	strace s9  }
0x27: {  	s1 =	sld [smem:$0x3FAC]  }
0x28: {  	s2 =	sld [smem:$0x3FAD]  }
0x29: {  	s4 =	sld [smem:$0x3FAF]  }
0x2a: {  	p0 =	seq.s32 s5, $0x0;
	s5 =	sld [smem:$0x3FB0]  }
0x2b: {  	s6 =	sld [smem:$0x3FB1]  }
0x2c: {  	s7 =	sld [smem:$0x3FB2]  }
0x2d: {  	s3 =	simm.s32 $0x108;
	s8 =	sld [smem:$0x3FB3]  }
0x2e: {  	s3 =	simm.s32 @!p0 $0x1082;
	s9 =	sld [smem:$0x3FB4]  }
0x2f: {  	lr =	sadd.s32 s0, s3;
	s0 =	sld [smem:$0x3FAB]  }
0x30: {  	s3 =	sld [smem:$0x3FAE]  }
0x31: {  	[smem:$0x3FB7] =	sst s10  }
0x32: {  	s10 =	sld [smem:$0x3FB5];
	_ =	sdelay $0x3  }
0x33: {  	p0 =	seq.s32 s10, $0x1;
	s10 =	sld [smem:$0x3FB7];
	_ =	sdelay $0x3  }
0x34: {  	[smem:$0x3FB7] =	sst s10  }
0x35: {  	s10 =	sld [smem:$0x3FB6];
	_ =	sdelay $0x3  }
0x36: {  	p1 =	seq.s32 s10, $0x1;
	s10 =	sld [smem:$0x3FB7];
	_ =	sdelay $0x3  }
0x37: {  	[smem:$0x3FB7] =	sst s10  }
0x38: {  	s10 =	sld [smem:$0x3FB8]  }
0x39: {  	_ = 	snop;
	(pc) =	sbr.ind lr, $3  }
0x3a: {  	_ = 	snop  }
0x3b: {  	_ = 	snop  }
0x3c: {  	p2 =	seq.s32 s10, $0x1;
	s10 =	sld [smem:$0x3FB7]  }
0x3d: {  	_ =	shalt  }
0x3e: {  	_ =	shalt  }
0x3f: {  	_ =	shalt  }
0x40: {  	_ =	shalt  }
0x41: {  	_ =	shalt  }
0x42: {  	_ =	shalt  }
0x43: {  	_ =	shalt  }
0x44: {  	_ =	shalt  }
0x45: {  	_ =	shalt  }
0x46: {  	_ =	shalt  }
0x47: {  	_ =	shalt  }
0x48: {  	_ =	shalt  }
0x49: {  	_ =	shalt  }
0x4a: {  	_ =	shalt  }
0x4b: {  	_ =	shalt  }
0x4c: {  	_ =	shalt  }
0x4d: {  	_ =	shalt  }
0x4e: {  	_ =	shalt  }
0x4f: {  	_ =	shalt  }
0x50: {  	_ =	shalt  }
0x51: {  	_ =	shalt  }
0x52: {  	_ =	shalt  }
0x53: {  	_ =	shalt  }
0x54: {  	_ =	shalt  }
0x55: {  	_ =	shalt  }
0x56: {  	_ =	shalt  }
0x57: {  	_ =	shalt  }
0x58: {  	_ =	shalt  }
0x59: {  	_ =	shalt  }
0x5a: {  	_ =	shalt  }
0x5b: {  	_ =	shalt  }
0x5c: {  	_ =	shalt  }
0x5d: {  	_ =	shalt  }
0x5e: {  	_ =	shalt  }
0x5f: {  	_ =	shalt  }
0x60: {  	_ =	shalt  }
0x61: {  	_ =	shalt  }
0x62: {  	_ =	shalt  }
0x63: {  	_ =	shalt  }
0x64: {  	_ =	shalt  }
0x65: {  	_ =	shalt  }
0x66: {  	_ =	shalt  }
0x67: {  	_ =	shalt  }
0x68: {  	_ =	shalt  }
0x69: {  	_ =	shalt  }
0x6a: {  	_ =	shalt  }
0x6b: {  	_ =	shalt  }
0x6c: {  	_ =	shalt  }
0x6d: {  	_ =	shalt  }
0x6e: {  	_ =	shalt  }
0x6f: {  	_ =	shalt  }
0x70: {  	_ =	shalt  }
0x71: {  	_ =	shalt  }
0x72: {  	_ =	shalt  }
0x73: {  	_ =	shalt  }
0x74: {  	_ =	shalt  }
0x75: {  	_ =	shalt  }
0x76: {  	_ =	shalt  }
0x77: {  	_ =	shalt  }
0x78: {  	_ =	shalt  }
0x79: {  	_ =	shalt  }
0x7a: {  	_ =	shalt  }
0x7b: {  	_ =	shalt  }
0x7c: {  	_ =	shalt  }
0x7d: {  	_ =	shalt  }
0x7e: {  	_ =	shalt  }
0x7f: {  	_ =	shalt  }
0x80: {  	_ =	shalt  }
0x81: {  	_ =	shalt  }
0x82: {  	_ =	shalt  }
0x83: {  	_ =	shalt  }
0x84: {  	_ =	shalt  }
0x85: {  	_ =	shalt  }
0x86: {  	_ =	shalt  }
0x87: {  	_ =	shalt  }
.Lfunc_end0:
.L_simem_size_0:
called_computation_lowered:
.L_overlay_start_0:
0x88: {  	s2 =	sld [smem:$0x3FD9]  }
0x89: {  	s3 =	sld [smem:$0x3FFE];
	_ =	sdelay $0x1  }
0x8a: {  	s1 =	srdreg.scid  }
0x8b: {  	s0 =	sand.u32 $0x1, s1  }
0x8c: {  	s14 =	sshll.u32 s0, $0xA;
	s2 =	sadd.s32 s3, s2  }
0x8d: {  	s2 =	sadd.s32 s2, s14  }
0x8e: {  	[smem:$0x3FC3] =	sst s2  }
0x8f: {  	_ = 	snop  }
0x90: {  	s2 =	sld [smem:$0x3FD0];
	_ =	sdelay $0x2  }
0x91: {  	s15 =	simm.s32 $0xA;
	s4 =	simm.s32 $0x10  }
0x92: {  	[smem:s4], [sflag:s15] =	dma.local [hbm:s2], $0x1  }
0x93: {  	_ =	swait.eq [sflag:s15], $0x1  }
0x94: {  	[sflag:s15] =	ssyncset.done $0x0  }
0x95: {  	s16 =	sld [smem:$0x10];
	[sflag:s15] =	ssyncadd.s32 $0xFFFFFFFF  }
0x96: {  	s17 =	sld [smem:$0x11];
	(tm) =	ssettm $0x1  }
0x97: {  	s18 =	sld [smem:$0x3FFB];
	_ =	sdelay $0x3  }
0x98: {  	_ =	strace s18  }
0x99: {  	s4 =	sld [smem:$0x3FFC];
	_ =	sdelay $0x3  }
0x9a: {  	_ =	strace s4  }
0x9b: {  	s4 =	sld [smem:$0x3FFD];
	_ =	sdelay $0x3  }
0x9c: {  	_ =	strace s4  }
0x9d: {  	_ =	strace $0x8FFFFFFF  }
0x9e: {  	s19 =	sld [smem:$0x3FDB];
	_ =	sdelay $0x1  }
0x9f: {  	s5 =	simm.s32 $_scs_section_size  }
0xa0: {  	s6 =	simm.s32 $_size__tile_overlayer_lowered;
	s7 =	simm.s32 $_tile_overlayer_lowered  }
0xa1: {  	s22 =	simm.s32 $0x1BFF;
	s21 =	sshll.u32 s7, $0x1;
	s4 =	sadd.s32 s5, s19  }
0xa2: {  	s8 =	simm.s32 $0x0;
	s20 =	sshll.u32 s6, $0x1;
	s6 =	sadd.s32 s21, s4  }
0xa3: {  	[timem:s8], [sflag:s22] =	dma.local [hbm:s6], s20  }
0xa4: {  	_ =	swait.ge [sflag:s22], s20  }
0xa5: {  	s5 =	ssub.s32 $0x0, s20;
	[sflag:s22] =	ssyncset.done $0x0  }
0xa6: {  	[sflag:s22] =	ssyncadd.s32 s5;
	_ =	sdelay $0x1  }
0xa7: {  	s23 =	simm.s32 $0x1B8B  }
0xa8: {  	_ =	swait.ge [sflag:s23], $0x1  }
0xa9: {  	[sflag:s23] =	ssyncset.done $0x0  }
0xaa: {  	s25 =	simm.s32 $0x1B8E;
	s24 =	sld [smem:$0x3FFE];
	[sflag:s23] =	ssyncadd.s32 $0xFFFFFFFF  }
0xab: {  	s26 =	simm.s32 $execute0_lowered;
	[smem:$0x3FD2] =	sst s25  }
0xac: {  	s6 =	sshll.u32 s26, $0x1;
	_ =	strace $0x80000046;
	[dreg:$0x1] =	wrdreg $0xFFFFFFFF  }
0xad: {  	s28 =	simm.s32 $_size_execute0_lowered;
	s4 =	sadd.s32 s4, s6;
	[dreg:$0x0] =	wrdreg $0x0  }
0xae: {  	s6 =	sshll.u32 s28, $0x1;
	[dreg:$0x2] =	wrdreg s4  }
0xaf: {  	[dreg:$0x3] =	wrdreg s6  }
0xb0: {  	[dreg:$0x4] =	wrdreg $0xC0  }
0xb1: {  	_ =	task [dreg:s8], $0x5FFFF  }
0xb2: {  	[dreg:$0x1] =	wrdreg $0xFFFFFFFF  }
0xb3: {  	[dreg:$0x0] =	wrdreg $0x60  }
0xb4: {  	[dreg:$0x2] =	wrdreg s24  }
0xb5: {  	[dreg:$0x3] =	wrdreg s17  }
0xb6: {  	[dreg:$0x4] =	wrdreg s16  }
0xb7: {  	[dreg:$0x5] =	wrdreg $0x9  }
0xb8: {  	_ =	task.clear_ibuf [dreg:s8], $0x6FFFF;
	_ =	strace $0x90000046  }
0xb9: {  	s29 =	simm.s32 $0x9;
	_ =	strace $0x80000048  }
0xba: {  	_ =	swait.ge [sflag:s29], $0x1  }
0xbb: {  	[sflag:s29] =	ssyncadd.s32 $0xFFFFFFFF  }
0xbc: {  	_ =	strace $0x90000048  }
0xbd: {  	_ =	sfence  }
0xbe: {  	s30 =	sld [smem:$0x0];
	_ =	sdelay $0x2  }
0xbf: {  	s31 =	sshll.u32 s1, $0xD;
	s1 =	sshrl.u32 s1, $0x2  }
0xc0: {  	s3 =	sand.u32 $0x4000, s31;
	s1 =	sadd.s32 s1, s30  }
0xc1: {  	s0 =	sor.u32 s3, s0;
	s1 =	sshll.u32 s1, $0x11  }
0xc2: {  	s0 =	sor.u32 s1, s0  }
0xc3: {  	s0 =	sadd.s32 $0x8F2B, s0  }
0xc4: {  	[sflag:s0] =	ssyncadd.remote.s32 $0x1  }
0xc5: {  	_ =	sfence.sel $0xFFFF  }
0xc6: {  	[dreg:$0x0] =	wrdreg $0xFFFFFFFF;
	(pc) =	sbr.abs _section_cstart, $3  }
0xc7: {  	[dreg:$0x1] =	wrdreg $0xFFFFFFFF  }
0xc8: {  	_ =	task.clear_ibuf [dreg:s8], $0x2FFFF;
	_ =	strace $0x9FFFFFFF  }
0xc9: {  	(tm) =	ssettm $0x7FFFFFFF  }
tec
execute0_lowered:
.L_overlay_start_1:
0x0: {  	(tag) =	ssettag $0x1  }
0x1: {  	s1 =	srdreg.scid;
	s0 =	stileid.u32  }
0x2: {  	s9 =	sand.u32 $0x1, s1;
	s4 =	sshll.u32 s0, $0x1  }
0x3: {  	s14 =	sor.u32 s9, s4  }
0x4: {  	p0 =	sgt.u32 s14, $0x6  }
.Ltmp0:
0x5: {  	s7 =	rddreg [dreg:$0x0];
	(pc) =	sbr.rel @p0 .LBB2_7-.Ltmp0, $4  }
0x6: {  	s8 =	rddreg [dreg:$0x1]  }
0x7: {  	s2 =	rddreg [dreg:$0x2];
	s3 =	simm.s32 $0x0  }
0x8: {  	[smem:$0x7FF] =	sst s3  }
0x9: {  	s1 =	rddreg [dreg:$0x3];
	_ =	strace $0x80000047  }
0xa: {  	s4 =	sadd.s32 $0xE00, s7  }
0xb: {  	s5 =	sadd.s32 $0x30E200, s7;
	s10 =	sadd.s32 $0x263400, s7  }
0xc: {  	s6 =	sadd.s32 $0xC00, s7;
	s7 =	sadd.s32 $0xA00, s7;
	s9 =	ssub.s32 $0x2, s9  }
0xd: {  	s11 =	sshll.u32 s14, $0x1;
	s13 =	sshll.u32 s14, $0x9;
	p0 =	sne.s32 s14, $0x0  }
0xe: {  	s14 =	simm.s32 $0x1;
	s15 =	simm.s32 $0x2;
	s16 =	simm.s32 $0x3B00  }
0xf: {  	s17 =	simm.s32 $0x0;
	s12 =	sshrl.u32 s9, $0x1;
	s8 =	sadd.s32 s8, s11  }
0x10: {  	s11 =	simm.s32 $0x4;
	s31 =	ssub.s32 s9, s12;
	s9 =	sadd.s32 s10, s13  }
0x11: {  	s12 =	simm.s32 $0x1000;
	s13 =	simm.s32 $0x80;
	s10 =	smax.u32 s31, $0x1  }
.LBB2_2:
0x12: {  	s18 =	simm.s32 $0x0  }
0x13: {  	[tilespmem:s18], [sflag:$0x4] =	stream.linear.gather [hbm4b:s9+s18], $0xC80, $0x38;
	[tilespmem:$0x3B80] =	vst v63  }
0x14: {  	_ =	swait.ge [sflag:s11], $0xC80  }
0x15: {  	[sflag:s11] =	ssyncset.done $0x0  }
0x16: {  	[sflag:s11] =	ssyncadd.s32 $0xFFFFF380  }
0x17: {  	[tilespmem:s12], [sflag:$0x4] =	stream.linear.gather [hbm4b:s6+s18], $0xC80, $0x38;
	[tilespmem:$0x3B80] =	vst v63  }
0x18: {  	_ =	swait.ge [sflag:s11], $0xC80  }
0x19: {  	[sflag:s11] =	ssyncset.done $0x0  }
0x1a: {  	s31 =	simm.s32 $0x0;
	s19 =	simm.s32 $0x2100;
	[sflag:s11] =	ssyncadd.s32 $0xFFFFF380  }
0x1b: {  	[tilespmem:s19], [sflag:$0x1] =	stream.indirect.gather [hbm4b:s4+s13], $0x1, s31, s13, $0xb8;
	[tilespmem:$0x3B80] =	vst v63  }
0x1c: {  	s20 =	simm.s32 $0x1000;
	s18 =	simm.s32 $0x200;
	s19 =	simm.s32 $0x2D80  }
.LBB2_3:
0x1d: {  	[tilespmem:s19], [sflag:$0x2] =	stream.indirect.gather [hbm4b:s5+s13], $0x1, s20, s13, $0xb8;
	[tilespmem:$0x3B80] =	vst v63  }
0x1e: {  	s19 =	smov.u32 s18;
	p1 =	sne.s32 s18, $0x3000  }
.Ltmp1:
0x1f: {  	s18 =	sadd.s32 $0x200, s18;
	(pc) =	sbr.rel @p1 .LBB2_3-.Ltmp1, $4  }
0x20: {  	s20 =	sshra.s32 s19, $0x2  }
0x21: {  	s19 =	sadd.s32 $0x2100, s20  }
0x22: {  	[tilespmem:s19], [sflag:$0x1] =	stream.indirect.gather [hbm4b:s4+s13], $0x1, s20, s13, $0xb8;
	[tilespmem:$0x3B80] =	vst v63  }
0x23: {  	s19 =	sadd.s32 $0x2D80, s20;
	s20 =	sadd.s32 $0x1000, s20  }
0x24: {  	[tilespmem:s19], [sflag:$0x2] =	stream.indirect.gather [hbm4b:s5+s13], $0x1, s20, s13, $0xb8;
	[tilespmem:$0x3B80] =	vst v63  }
0x25: {  	s18 =	simm.s32 @!p0 $0x0;
	s19 =	simm.s32 @!p0 $0x2000  }
0x26: {  	[tilespmem:s19], [sflag:$0x4] =	stream.linear.gather @!p0 [hbm4b:s7+s18], $0x100, $0x38;
	[tilespmem:$0x3B80] =	vst v63  }
0x27: {  	s18 =	simm.s32 @!p0 $0x4  }
0x28: {  	_ =	swait.ge @!p0 [sflag:s18], $0x100  }
0x29: {  	[sflag:s18] =	ssyncset.done @!p0 $0x0  }
0x2a: {  	s20 =	simm.s32 @!p0 $0x3A00;
	[sflag:s18] =	ssyncadd.s32 @!p0 $0xFFFFFF00;
	s18 =	simm.s32 @!p0 $0x68  }
0x2b: {  	[tilespmem:s20], [sflag:$0x3] =	stream.indirect.gather @!p0 [hbm4b:s5+s18], $0x1, s19, s18, $0xb8;
	[tilespmem:$0x3B80] =	vst v63  }
0x2c: {  	s19 =	simm.s32 @!p0 $0x2080;
	s20 =	simm.s32 @!p0 $0x3A68  }
0x2d: {  	[tilespmem:s20], [sflag:$0x3] =	stream.indirect.gather @!p0 [hbm4b:s5+s18], $0x1, s19, s18, $0xb8;
	[tilespmem:$0x3B80] =	vst v63  }
0x2e: {  	_ =	swait.ge [sflag:s14], $0xC80  }
0x2f: {  	[sflag:s14] =	ssyncset.done $0x0  }
0x30: {  	[sflag:s14] =	ssyncadd.s32 $0xFFFFF380  }
0x31: {  	_ =	swait.ge [sflag:s15], $0xC80  }
0x32: {  	[sflag:s15] =	ssyncset.done $0x0  }
0x33: {  	s31 =	simm.s32 $0x0;
	[sflag:s15] =	ssyncadd.s32 $0xFFFFF380  }
0x34: {  	v0 =	vld [tilespmem:s31+$0x2D80]  }
0x35: {  	v3 =	vimm.f32 $0.0e+00;
	v1 =	vimm.f32 $0.0e+00;
	v4 =	vimm.f32 $0.0e+00;
	s18 =	simm.s32 $0x40;
	v2 =	vld [tilespmem:s31+$0x2100]  }
.LBB2_5:
0x36: {  	_ = 	snop  }
0x37: {  	p1 =	sne.s32 s18, $0x31C0  }
.Ltmp2:
0x38: {  	_ = 	snop;
	(pc) =	sbr.rel @p1 .LBB2_5-.Ltmp2, $4  }
0x39: {  	v5 =	vmul.f32 v0, v0  }
0x3a: {  	s19 =	sshra.s32 s18, $0x2;
	v6 =	vmul.f32 v0, v2;
	v7 =	vmul.f32 v2, v2  }
0x3b: {  	v0 =	vld [tilespmem:s19+$0x2D80];
	v3 =	vadd.f32 v5, v3  }
0x3c: {  	s18 =	sadd.s32 $0x40, s18;
	v2 =	vld [tilespmem:s19+$0x2100];
	v1 =	vadd.f32 v6, v1;
	v4 =	vadd.f32 v7, v4  }
0x3d: {  	_ =	sdelay $0x3  }
0x3e: {  	v5 =	vmul.f32 v0, v0;
	v6 =	vmul.f32 v2, v2;
	_ =	sdelay $0x1  }
0x3f: {  	v3 =	vadd.f32 v5, v3;
	v4 =	vadd.f32 v6, v4;
	_ =	sdelay $0x1  }
0x40: {  	v3 =	vmax.f32 v3, $1.000000020e-16;
	v4 =	vmax.f32 v4, $1.000000020e-16  }
0x41: {  	v3 =	vmul.f32 v3, v4;
	_ =	sdelay $0x1  }
0x42: {  	v4 =	vshrl.u32 v3, $0x1;
	v3 =	vmul.f32 $5.000000000e-01, v3  }
0x43: {  	v4 =	vsub.s32 $0x5F3759DF, v4  }
0x44: {  	v60 =	vmul.f32 v4, v3;
	_ =	sdelay $0x1  }
0x45: {  	v5 =	vmul.f32 v4, v60;
	_ =	sdelay $0x1  }
0x46: {  	v5 =	vsub.f32 $1.500000000e+00, v5;
	_ =	sdelay $0x1  }
0x47: {  	v4 =	vmul.f32 v4, v5;
	_ =	sdelay $0x1  }
0x48: {  	v5 =	vmul.f32 v4, v3;
	_ =	sdelay $0x1  }
0x49: {  	v5 =	vmul.f32 v5, v4;
	_ =	sdelay $0x1  }
0x4a: {  	v5 =	vsub.f32 $1.500000000e+00, v5;
	_ =	sdelay $0x1  }
0x4b: {  	v4 =	vmul.f32 v5, v4;
	_ =	sdelay $0x1  }
0x4c: {  	v3 =	vmul.f32 v4, v3;
	_ =	sdelay $0x1  }
0x4d: {  	v3 =	vmul.f32 v3, v4;
	_ =	sdelay $0x1  }
0x4e: {  	v61 =	vmul.f32 v0, v2;
	v62 =	vsub.f32 $1.500000000e+00, v3;
	_ =	sdelay $0x1  }
0x4f: {  	v0 =	vadd.f32 v61, v1;
	v63 =	vmul.f32 v62, v4;
	_ =	sdelay $0x1  }
0x50: {  	v0 =	vmul.f32 v63, v0;
	_ =	sdelay $0x1  }
0x51: {  	[tilespmem:$0x3B00] =	vst v0  }
0x52: {  	[hbm4b:s8+s3] =	stream.linear.scatter [tilespmem:s16], [sflag:$0x4], $0x10, $0x38;
	[tilespmem:$0x3B80] =	vst v63  }
0x53: {  	_ =	swait.ge [sflag:s11], $0x10  }
0x54: {  	[sflag:s11] =	ssyncset.done $0x0  }
0x55: {  	s18 =	simm.s32 @!p0 $0x3;
	[sflag:s11] =	ssyncadd.s32 $0xFFFFFFF0  }
0x56: {  	_ =	swait.ge @!p0 [sflag:s18], $0xD0  }
0x57: {  	s19 =	simm.s32 @!p0 $0x3A00;
	s17 =	sadd.s32 $0x1, s17;
	[sflag:s18] =	ssyncset.done @!p0 $0x0  }
0x58: {  	p1 =	sne.s32 s17, s10;
	[sflag:s18] =	ssyncadd.s32 @!p0 $0xFFFFFF30;
	s18 =	simm.s32 @!p0 $0x0  }
0x59: {  	[hbm4b:s2+s18] =	stream.linear.scatter @!p0 [tilespmem:s19], [sflag:$0x4], $0xC8, $0x38;
	[tilespmem:$0x3B80] =	vst v63  }
.Ltmp3:
0x5a: {  	_ = 	snop;
	(pc) =	sbr.rel @p1 .LBB2_2-.Ltmp3, $4  }
0x5b: {  	s18 =	simm.s32 @!p0 $0x4  }
0x5c: {  	_ =	swait.ge @!p0 [sflag:s18], $0xC8  }
0x5d: {  	[sflag:s18] =	ssyncset.done @!p0 $0x0  }
0x5e: {  	[sflag:s18] =	ssyncadd.s32 @!p0 $0xFFFFFF38  }
.LBB2_7:
0x5f: {  	_ =	sfence.sel $0x180000  }
0x60: {  	[bflag:$0x0] =	sbarrier.arrive $0xFFFF  }
0x61: {  	p0 =	sne.s32 s0, $0x0;
	_ =	strace $0x90000047  }
0x62: {  	s0 =	sadd.s32 @!p0 $0x100000, s1;
	[bflag:$0x2] =	sbarrier.arrive $0xFFFF  }
0x63: {  	[sflag:s0] =	ssyncadd.tile.s32 @!p0 $0x1;
	_ =	shalt  }
.Lfunc_end2:
_tile_overlayer_lowered:
.L_overlay_start_2:
0x64: {  	(tag) =	ssettag $0x2  }
0x65: {  	s0 =	rddreg [dreg:$0x0];
	s2 =	stileid.u32  }
0x66: {  	s1 =	rddreg [dreg:$0x1];
	p0 =	sne.s32 s2, $0x0  }
0x67: {  	s3 =	rddreg [dreg:$0x2];
	[bflag:$0x3] =	sbarrier.arrive $0xFFFF;
	s2 =	simm.s32 @!p0 $0x1C04  }
0x68: {  	[timem:s3], [sflag:s2] =	dma.local @!p0 [hbm:s0], s1  }
0x69: {  	s0 =	simm.s32 @!p0 $0x4  }
0x6a: {  	_ =	swait.ge @!p0 [sflag:s0], s1  }
0x6b: {  	s1 =	ssub.s32 @!p0 $0x0, s1;
	[sflag:s0] =	ssyncset.done @!p0 $0x0  }
0x6c: {  	[sflag:s0] =	ssyncadd.s32 @!p0 s1  }
0x6d: {  	[bflag:$0x3] =	sbarrier.arrive $0xFFFF  }
0x6e: {  	_ =	shalt  }

</sc_bundles>
